<compile_context>
chip_gen: v7x
topology: tpu7x:2x2x1
jax: 0.10.2.dev20260603
libtpu: 0.0.44.dev20260713+nightly
codegen_flags: <defaults>
</compile_context>

<pallas_src>
import functools

import jax
import jax.numpy as jnp
from jax import lax
from jax.experimental import pallas as pl
from jax.experimental.pallas import tpu as pltpu
from jax.experimental.pallas import tpu_sc as plsc

_B, _IN, _H, _C, _K = 512, 768, 64, 256, 1024
_HI = jax.lax.Precision.HIGHEST


def _dot(a, b):
    return jnp.dot(a, b, precision=_HI, preferred_element_type=jnp.float32)


def _vq_body(x_ref, We_ref, be_ref, W0_ref, b0_ref, W1_ref, b1_ref,
             Wmu_ref, bmu_ref, protos_ref, g_ref, idx_ref, loss_ref):
    x = x_ref[...]
    emb = _dot(x, We_ref[...]) + be_ref[...]
    h0 = jnp.maximum(_dot(emb, W0_ref[...]) + b0_ref[...], 0.0)
    h1 = jnp.maximum(_dot(h0, W1_ref[...]) + b1_ref[...], 0.0)
    mu = _dot(h1, Wmu_ref[...]) + bmu_ref[...]

    p = protos_ref[...]
    cross = jax.lax.dot_general(mu, p, (((1,), (1,)), ((), ())),
                                precision=_HI, preferred_element_type=jnp.float32)
    mu2 = jnp.sum(mu * mu, axis=1, keepdims=True)
    pp = p * p
    ones_row = jnp.ones((1, _C), jnp.float32)
    p2 = jax.lax.dot_general(ones_row, pp, (((1,), (1,)), ((), ())),
                             precision=_HI, preferred_element_type=jnp.float32)

    y = g_ref[...] + (2.0 * cross - mu2) - p2
    row_max = jnp.max(y, axis=1, keepdims=True)
    shifted = y - row_max
    ey = jnp.exp(shifted)
    sum_ey = jnp.sum(ey, axis=1, keepdims=True)
    logprobs = shifted - jnp.log(sum_ey)
    soft = ey / sum_ey

    idx_ref[...] = jnp.argmax(logprobs, axis=1).reshape(_B, 1)

    prior = jnp.sum(soft, axis=0, keepdims=True) * (1.0 / _B) + 1e-6
    colsum_lp = jnp.sum(logprobs, axis=0, keepdims=True)
    logp = jnp.log(prior)
    capacity = jnp.sum(prior * (_B * logp - colsum_lp), keepdims=True) * (1.0 / _B)
    ent = -jnp.sum(prior * logp, keepdims=True)
    loss_ref[...] = capacity - 0.001 * ent


def _sc_gather(table, idx):
    info = plsc.get_sparse_core_info()
    nw = info.num_cores * info.num_subcores
    b_per_w = _B // nw
    mesh = plsc.VectorSubcoreMesh(core_axis_name="c", subcore_axis_name="s")

    @functools.partial(
        pl.kernel, mesh=mesh,
        out_type=jax.ShapeDtypeStruct((_B, _C), jnp.float32),
        scratch_types=[
            pltpu.VMEM((b_per_w,), jnp.int32),
            pltpu.VMEM((b_per_w, _C), jnp.float32),
            pltpu.SemaphoreType.DMA,
        ],
    )
    def gather_k(table_hbm, idx_hbm, out_hbm, idx_v, rows_v, sem):
        wid = lax.axis_index("s") * info.num_cores + lax.axis_index("c")
        base = wid * b_per_w
        pltpu.sync_copy(idx_hbm.at[pl.ds(base, b_per_w)], idx_v)
        pltpu.async_copy(table_hbm.at[idx_v], rows_v, sem).wait()
        pltpu.sync_copy(rows_v, out_hbm.at[pl.ds(base, b_per_w)])

    return gather_k(table, idx)


def kernel(x, We, be, W0, b0, W1, b1, Wmu, bmu, Wv, bv, protos):
    del Wv, bv
    k2 = jax.random.split(jax.random.key(42))[1]
    u = jax.random.uniform(k2, (_B, _K), jnp.float32, 1e-10, 1.0)
    g = -jnp.log(-jnp.log(u))

    idx, loss = pl.pallas_call(
        _vq_body,
        out_shape=(
            jax.ShapeDtypeStruct((_B, 1), jnp.int32),
            jax.ShapeDtypeStruct((1, 1), jnp.float32),
        ),
    )(x, We, be.reshape(1, _H), W0, b0.reshape(1, _H), W1, b1.reshape(1, _C),
      Wmu, bmu.reshape(1, _C), protos, g)

    out = _sc_gather(protos, idx.reshape(_B))
    return (out, loss.reshape(()), jnp.zeros(()))

# --- scband reference (transcript-rebuilt; emitter-appended) ---
"""Pipeline reference for scband-vq2-21586505630025 (READ-ONLY COPY).

The authoritative reference and input builder live on the scoring server;
editing this copy changes nothing except your own understanding.
"""

import jax, jax.numpy as jnp
import numpy as np

B, IN, H, C, K = 512, 768, 64, 256, 1024
KL_WEIGHT = 1.0


def _linear_params(key, fan_in, fan_out):
    k1, k2 = jax.random.split(key)
    bound = 1.0 / np.sqrt(fan_in)
    W = jax.random.uniform(k1, (fan_in, fan_out), jnp.float32, -bound, bound)
    b = jax.random.uniform(k2, (fan_out,), jnp.float32, -bound, bound)
    return W, b


def setup_inputs(seed: int = 0):
    key = jax.random.key(seed)
    ks = jax.random.split(key, 8)
    x = jax.random.normal(ks[0], (B, IN), jnp.float32)
    We, be = _linear_params(ks[1], IN, H)
    W0, b0 = _linear_params(ks[2], H, H)
    W1, b1 = _linear_params(ks[3], H, C)
    Wmu, bmu = _linear_params(ks[4], C, C)
    Wv, bv = _linear_params(ks[5], C, C)
    protos = jax.random.uniform(ks[6], (K, C), jnp.float32, -1.0 / K, 1.0 / K)
    return {"x": x, "We": We, "be": be, "W0": W0, "b0": b0, "W1": W1, "b1": b1,
            "Wmu": Wmu, "bmu": bmu, "Wv": Wv, "bv": bv, "protos": protos}


def _forward(x, We, be, W0, b0, W1, b1, Wmu, bmu, Wv, bv, protos):
    emb = x @ We + be                      # feature_embedder
    h = emb.reshape(-1, H * 1)             # num_imgs = 1
    h = jax.nn.relu(h @ W0 + b0)           # layer 0
    h = jax.nn.relu(h @ W1 + b1)           # layer 1 -> comm_dim
    reshaped = h.reshape(-1, C)            # proto_latent_dim == comm_dim (1 token)
    mu = reshaped @ Wmu + bmu
    logvar = reshaped @ Wv + bv
    kr = jax.random.key(42)
    k1, k2 = jax.random.split(kr)
    eps = jax.random.normal(k1, mu.shape, mu.dtype)
    sample = mu + eps * jnp.exp(0.5 * logvar)  # reparameterize (computed, unused downstream)
    # --- VQLayer ---
    vector_diffs = mu[:, None, :] - protos[None, :, :]
    normalized_dists = jnp.sum(vector_diffs ** 2, axis=2)
    neg_dists = -1.0 * normalized_dists
    # gumbel_softmax(hard=True, return_dist=True), tau = 1
    u = jax.random.uniform(k2, neg_dists.shape, jnp.float32, 1e-10, 1.0)
    g = -jnp.log(-jnp.log(u))
    y = neg_dists + g
    logprobs = jax.nn.log_softmax(y, axis=-1)
    soft = jnp.exp(logprobs)
    idx = jnp.argmax(logprobs, axis=-1)
    hard = jax.nn.one_hot(idx, K, dtype=soft.dtype)
    onehot = hard - jax.lax.stop_gradient(soft) + soft  # straight-through
    quantized = onehot @ protos
    epsilon = 1e-6
    prior = jnp.mean(jnp.exp(logprobs) + epsilon, axis=0, keepdims=True)
    prior_full = jnp.broadcast_to(prior, logprobs.shape)
    # nn.KLDivLoss(reduction='batchmean')(logprobs, prior)
    capacity = jnp.sum(prior_full * (jnp.log(prior_full) - logprobs)) / logprobs.shape[0]
    vq_loss = KL_WEIGHT * capacity
    ent = jnp.sum(-1.0 * prior[0] * jnp.log(prior[0]))
    vq_loss = vq_loss - 0.001 * ent        # settings.epoch <= 5000 branch
    output = quantized.reshape(-1, C)
    return output, vq_loss


def reference(x, We, be, W0, b0, W1, b1, Wmu, bmu, Wv, bv, protos):
    output, total_loss = _forward(x, We, be, W0, b0, W1, b1, Wmu, bmu, Wv, bv, protos)
    capacity = jnp.zeros(())  # kld_loss = 0 in the torch forward
    return (output, total_loss, capacity)

if __name__ == "__main__":
    import jax
    _d = setup_inputs()
    print(jax.jit(kernel)(*tuple(_d.values())))

</pallas_src>

<mosaic_0001>
#map = affine_map<(d0, d1) -> (0, 0)>
#map1 = affine_map<(d0, d1) -> (0)>
module attributes {stable_mosaic.version = 14 : i64} {
  func.func @gather_k(%arg0: i32, %arg1: i32, %arg2: memref<1024x256xf32, #tpu.memory_space<hbm>>, %arg3: memref<512xi32, #tpu.memory_space<hbm>>, %arg4: memref<512x256xf32, #tpu.memory_space<hbm>>, %arg5: memref<16xi32, #tpu.memory_space<vmem>>, %arg6: memref<16x256xf32, #tpu.memory_space<vmem>>, %arg7: memref<!tpu.dma_semaphore, #tpu.memory_space<semaphore_mem>>) attributes {dimension_semantics = [#tpu.dimension_semantics<core_parallel>, #tpu.dimension_semantics<subcore_parallel>], iteration_bounds = array<i64: 2, 16>, scalar_prefetch = 0 : i64, scratch_operands = 3 : i64, tpu.core_type = #tpu.core_type<sc_vector_subcore>, window_params = [{transform_indices = #map}, {transform_indices = #map1}, {transform_indices = #map}]} {
    %mul3A = arith.constant 2 : i32
    %mul3A_0 = arith.muli %arg1, %mul3A : i32
    %add3A = arith.addi %mul3A_0, %arg0 : i32
    %mul3A_1 = arith.constant 16 : i32
    %mul3A_2 = arith.muli %add3A, %mul3A_1 : i32
    "tpu.region"() ({
      %run_scoped3A = tpu.sem_alloc : memref<!tpu.dma_semaphore, #tpu.memory_space<semaphore_mem>>
      %dma_start3A_7 = tpu.memref_slice %arg3[%mul3A_2] : memref<512xi32, #tpu.memory_space<hbm>> -> memref<16xi32, #tpu.memory_space<hbm>>
      %dma_start3A_8 = tpu.memref_slice %arg3[%mul3A_2] : memref<512xi32, #tpu.memory_space<hbm>> -> memref<16xi32, #tpu.memory_space<hbm>>
      tpu.enqueue_dma source(%dma_start3A_8 : memref<16xi32, #tpu.memory_space<hbm>>) target(%arg5 : memref<16xi32, #tpu.memory_space<vmem>>) target_semaphore(%run_scoped3A : memref<!tpu.dma_semaphore, #tpu.memory_space<semaphore_mem>>)
      %dma_wait3A_9 = tpu.memref_slice %arg3[%mul3A_2] : memref<512xi32, #tpu.memory_space<hbm>> -> memref<16xi32, #tpu.memory_space<hbm>>
      %dma_wait3A_10 = tpu.memref_slice %arg3[%mul3A_2] : memref<512xi32, #tpu.memory_space<hbm>> -> memref<16xi32, #tpu.memory_space<hbm>>
      tpu.wait_dma2 semaphore(%run_scoped3A : memref<!tpu.dma_semaphore, #tpu.memory_space<semaphore_mem>>) src(%dma_wait3A_10 : memref<16xi32, #tpu.memory_space<hbm>>) dst(%arg5 : memref<16xi32, #tpu.memory_space<vmem>>)
      tpu.yield
    }) : () -> ()
    %dma_start3A = arith.constant 0 : i32
    %dma_start3A_3 = arith.constant 0 : i32
    %dma_start3A_4 = tpu.memref_slice %arg2[%dma_start3A, %dma_start3A_3] : memref<1024x256xf32, #tpu.memory_space<hbm>> -> memref<1024x256xf32, #tpu.memory_space<hbm>>
    tpu.enqueue_indirect_dma source(%dma_start3A_4 : memref<1024x256xf32, #tpu.memory_space<hbm>>) target(%arg6 : memref<16x256xf32, #tpu.memory_space<vmem>>) offsets(%arg5 : memref<16xi32, #tpu.memory_space<vmem>>) semaphore(%arg7 : memref<!tpu.dma_semaphore, #tpu.memory_space<semaphore_mem>>)
    %dma_wait3A = arith.constant 0 : i32
    %dma_wait3A_5 = arith.constant 0 : i32
    %dma_wait3A_6 = tpu.memref_slice %arg2[%dma_wait3A, %dma_wait3A_5] : memref<1024x256xf32, #tpu.memory_space<hbm>> -> memref<1024x256xf32, #tpu.memory_space<hbm>>
    tpu.wait_indirect_dma semaphore(%arg7 : memref<!tpu.dma_semaphore, #tpu.memory_space<semaphore_mem>>) src(%dma_wait3A_6 : memref<1024x256xf32, #tpu.memory_space<hbm>>) dst(%arg6 : memref<16x256xf32, #tpu.memory_space<vmem>>)
    "tpu.region"() ({
      %run_scoped3A = tpu.sem_alloc : memref<!tpu.dma_semaphore, #tpu.memory_space<semaphore_mem>>
      %dma_start3A_7 = arith.constant 0 : i32
      %dma_start3A_8 = tpu.memref_slice %arg4[%mul3A_2, %dma_start3A_7] : memref<512x256xf32, #tpu.memory_space<hbm>> -> memref<16x256xf32, #tpu.memory_space<hbm>>
      %dma_start3A_9 = arith.constant 0 : i32
      %dma_start3A_10 = tpu.memref_slice %arg4[%mul3A_2, %dma_start3A_9] : memref<512x256xf32, #tpu.memory_space<hbm>> -> memref<16x256xf32, #tpu.memory_space<hbm>>
      tpu.enqueue_dma source(%arg6 : memref<16x256xf32, #tpu.memory_space<vmem>>) target(%dma_start3A_10 : memref<16x256xf32, #tpu.memory_space<hbm>>) target_semaphore(%run_scoped3A : memref<!tpu.dma_semaphore, #tpu.memory_space<semaphore_mem>>)
      %dma_wait3A_11 = arith.constant 0 : i32
      %dma_wait3A_12 = tpu.memref_slice %arg4[%mul3A_2, %dma_wait3A_11] : memref<512x256xf32, #tpu.memory_space<hbm>> -> memref<16x256xf32, #tpu.memory_space<hbm>>
      %dma_wait3A_13 = arith.constant 0 : i32
      %dma_wait3A_14 = tpu.memref_slice %arg4[%mul3A_2, %dma_wait3A_13] : memref<512x256xf32, #tpu.memory_space<hbm>> -> memref<16x256xf32, #tpu.memory_space<hbm>>
      tpu.wait_dma2 semaphore(%run_scoped3A : memref<!tpu.dma_semaphore, #tpu.memory_space<semaphore_mem>>) src(%arg6 : memref<16x256xf32, #tpu.memory_space<vmem>>) dst(%dma_wait3A_14 : memref<16x256xf32, #tpu.memory_space<hbm>>)
      tpu.yield
    }) : () -> ()
    return
  }
}

module attributes {stable_mosaic.version = 14 : i64} {
  func.func @_vq_body(%arg0: memref<512x768xf32, #tpu.memory_space<vmem>>, %arg1: memref<768x64xf32, #tpu.memory_space<vmem>>, %arg2: memref<1x64xf32, #tpu.memory_space<vmem>>, %arg3: memref<64x64xf32, #tpu.memory_space<vmem>>, %arg4: memref<1x64xf32, #tpu.memory_space<vmem>>, %arg5: memref<64x256xf32, #tpu.memory_space<vmem>>, %arg6: memref<1x256xf32, #tpu.memory_space<vmem>>, %arg7: memref<256x256xf32, #tpu.memory_space<vmem>>, %arg8: memref<1x256xf32, #tpu.memory_space<vmem>>, %arg9: memref<1024x256xf32, #tpu.memory_space<vmem>>, %arg10: memref<512x1024xf32, #tpu.memory_space<vmem>>, %arg11: memref<512x1xi32, #tpu.memory_space<vmem>>, %arg12: memref<1x1xf32, #tpu.memory_space<vmem>>) attributes {dimension_semantics = [], scalar_prefetch = 0 : i64, scratch_operands = 0 : i64, tpu.core_type = #tpu.core_type<tc>} {
    %get3A = arith.constant 0 : index
    %get3A_0 = arith.constant 0 : index
    %get3A_1 = vector.load %arg0[%get3A, %get3A_0] : memref<512x768xf32, #tpu.memory_space<vmem>>, vector<512x768xf32>
    %get3A_2 = arith.constant 0 : index
    %get3A_3 = arith.constant 0 : index
    %get3A_4 = vector.load %arg1[%get3A_2, %get3A_3] : memref<768x64xf32, #tpu.memory_space<vmem>>, vector<768x64xf32>
    %dot_general3A = arith.constant dense<0.000000e+00> : vector<512x64xf32>
    %dot_general3A_5 = tpu.matmul %get3A_1, %get3A_4, %dot_general3A {dimension_numbers = #tpu.dot_dimension_numbers<[1], [0], [0], [1], [0, 0, 1, 1], [], []>, precision = #tpu.contract_precision<fp32>, transpose_lhs_hint = false} : vector<512x768xf32>, vector<768x64xf32>, vector<512x64xf32> -> vector<512x64xf32>
    %get3A_6 = arith.constant 0 : index
    %get3A_7 = arith.constant 0 : index
    %get3A_8 = vector.load %arg2[%get3A_6, %get3A_7] : memref<1x64xf32, #tpu.memory_space<vmem>>, vector<1x64xf32>
    %add3A = vector.broadcast %get3A_8 : vector<1x64xf32> to vector<512x64xf32>
    %add3A_9 = arith.addf %dot_general3A_5, %add3A : vector<512x64xf32>
    %get3A_10 = arith.constant 0 : index
    %get3A_11 = arith.constant 0 : index
    %get3A_12 = vector.load %arg3[%get3A_10, %get3A_11] : memref<64x64xf32, #tpu.memory_space<vmem>>, vector<64x64xf32>
    %dot_general3A_13 = arith.constant dense<0.000000e+00> : vector<512x64xf32>
    %dot_general3A_14 = tpu.matmul %add3A_9, %get3A_12, %dot_general3A_13 {dimension_numbers = #tpu.dot_dimension_numbers<[1], [0], [0], [1], [0, 0, 1, 1], [], []>, precision = #tpu.contract_precision<fp32>, transpose_lhs_hint = false} : vector<512x64xf32>, vector<64x64xf32>, vector<512x64xf32> -> vector<512x64xf32>
    %get3A_15 = arith.constant 0 : index
    %get3A_16 = arith.constant 0 : index
    %get3A_17 = vector.load %arg4[%get3A_15, %get3A_16] : memref<1x64xf32, #tpu.memory_space<vmem>>, vector<1x64xf32>
    %add3A_18 = vector.broadcast %get3A_17 : vector<1x64xf32> to vector<512x64xf32>
    %add3A_19 = arith.addf %dot_general3A_14, %add3A_18 : vector<512x64xf32>
    %max3A = arith.constant 0.000000e+00 : f32
    %max3A_20 = vector.broadcast %max3A : f32 to vector<512x64xf32>
    %max3A_21 = arith.maximumf %add3A_19, %max3A_20 : vector<512x64xf32>
    %get3A_22 = arith.constant 0 : index
    %get3A_23 = arith.constant 0 : index
    %get3A_24 = vector.load %arg5[%get3A_22, %get3A_23] : memref<64x256xf32, #tpu.memory_space<vmem>>, vector<64x256xf32>
    %dot_general3A_25 = arith.constant dense<0.000000e+00> : vector<512x256xf32>
    %dot_general3A_26 = tpu.matmul %max3A_21, %get3A_24, %dot_general3A_25 {dimension_numbers = #tpu.dot_dimension_numbers<[1], [0], [0], [1], [0, 0, 1, 1], [], []>, precision = #tpu.contract_precision<fp32>, transpose_lhs_hint = false} : vector<512x64xf32>, vector<64x256xf32>, vector<512x256xf32> -> vector<512x256xf32>
    %get3A_27 = arith.constant 0 : index
    %get3A_28 = arith.constant 0 : index
    %get3A_29 = vector.load %arg6[%get3A_27, %get3A_28] : memref<1x256xf32, #tpu.memory_space<vmem>>, vector<1x256xf32>
    %add3A_30 = vector.broadcast %get3A_29 : vector<1x256xf32> to vector<512x256xf32>
    %add3A_31 = arith.addf %dot_general3A_26, %add3A_30 : vector<512x256xf32>
    %max3A_32 = arith.constant 0.000000e+00 : f32
    %max3A_33 = vector.broadcast %max3A_32 : f32 to vector<512x256xf32>
    %max3A_34 = arith.maximumf %add3A_31, %max3A_33 : vector<512x256xf32>
    %get3A_35 = arith.constant 0 : index
    %get3A_36 = arith.constant 0 : index
    %get3A_37 = vector.load %arg7[%get3A_35, %get3A_36] : memref<256x256xf32, #tpu.memory_space<vmem>>, vector<256x256xf32>
    %dot_general3A_38 = arith.constant dense<0.000000e+00> : vector<512x256xf32>
    %dot_general3A_39 = tpu.matmul %max3A_34, %get3A_37, %dot_general3A_38 {dimension_numbers = #tpu.dot_dimension_numbers<[1], [0], [0], [1], [0, 0, 1, 1], [], []>, precision = #tpu.contract_precision<fp32>, transpose_lhs_hint = false} : vector<512x256xf32>, vector<256x256xf32>, vector<512x256xf32> -> vector<512x256xf32>
    %get3A_40 = arith.constant 0 : index
    %get3A_41 = arith.constant 0 : index
    %get3A_42 = vector.load %arg8[%get3A_40, %get3A_41] : memref<1x256xf32, #tpu.memory_space<vmem>>, vector<1x256xf32>
    %add3A_43 = vector.broadcast %get3A_42 : vector<1x256xf32> to vector<512x256xf32>
    %add3A_44 = arith.addf %dot_general3A_39, %add3A_43 : vector<512x256xf32>
    %get3A_45 = arith.constant 0 : index
    %get3A_46 = arith.constant 0 : index
    %get3A_47 = vector.load %arg9[%get3A_45, %get3A_46] : memref<1024x256xf32, #tpu.memory_space<vmem>>, vector<1024x256xf32>
    %dot_general3A_48 = arith.constant dense<0.000000e+00> : vector<512x1024xf32>
    %dot_general3A_49 = tpu.matmul %add3A_44, %get3A_47, %dot_general3A_48 {dimension_numbers = #tpu.dot_dimension_numbers<[1], [1], [0], [0], [0, 0, 1, 0], [], []>, precision = #tpu.contract_precision<fp32>, transpose_lhs_hint = false} : vector<512x256xf32>, vector<1024x256xf32>, vector<512x1024xf32> -> vector<512x1024xf32>
    %mul3A = arith.mulf %add3A_44, %add3A_44 : vector<512x256xf32>
    %reduce_sum3A = arith.constant dense<0.000000e+00> : vector<512xf32>
    %reduce_sum3A_50 = vector.multi_reduction <add>, %mul3A, %reduce_sum3A [1] : vector<512x256xf32> to vector<512xf32>
    %broadcast_in_dim3A = vector.shape_cast %reduce_sum3A_50 : vector<512xf32> to vector<512x1xf32>
    %mul3A_51 = arith.mulf %get3A_47, %get3A_47 : vector<1024x256xf32>
    %broadcast_in_dim3A_52 = arith.constant 1.000000e+00 : f32
    %broadcast_in_dim3A_53 = vector.broadcast %broadcast_in_dim3A_52 : f32 to vector<1x256xf32>
    %dot_general3A_54 = arith.constant dense<0.000000e+00> : vector<1x1024xf32>
    %dot_general3A_55 = tpu.matmul %broadcast_in_dim3A_53, %mul3A_51, %dot_general3A_54 {dimension_numbers = #tpu.dot_dimension_numbers<[1], [1], [0], [0], [0, 0, 1, 0], [], []>, precision = #tpu.contract_precision<fp32>, transpose_lhs_hint = false} : vector<1x256xf32>, vector<1024x256xf32>, vector<1x1024xf32> -> vector<1x1024xf32>
    %get3A_56 = arith.constant 0 : index
    %get3A_57 = arith.constant 0 : index
    %get3A_58 = vector.load %arg10[%get3A_56, %get3A_57] : memref<512x1024xf32, #tpu.memory_space<vmem>>, vector<512x1024xf32>
    %mul3A_59 = arith.constant 2.000000e+00 : f32
    %mul3A_60 = vector.broadcast %mul3A_59 : f32 to vector<512x1024xf32>
    %mul3A_61 = arith.mulf %mul3A_60, %dot_general3A_49 : vector<512x1024xf32>
    %sub3A = vector.broadcast %broadcast_in_dim3A : vector<512x1xf32> to vector<512x1024xf32>
    %sub3A_62 = arith.subf %mul3A_61, %sub3A : vector<512x1024xf32>
    %add3A_63 = arith.addf %get3A_58, %sub3A_62 : vector<512x1024xf32>
    %sub3A_64 = vector.broadcast %dot_general3A_55 : vector<1x1024xf32> to vector<512x1024xf32>
    %sub3A_65 = arith.subf %add3A_63, %sub3A_64 : vector<512x1024xf32>
    %reduce_max3A = arith.constant dense<0xFF800000> : vector<512xf32>
    %reduce_max3A_66 = vector.multi_reduction <maximumf>, %sub3A_65, %reduce_max3A [1] : vector<512x1024xf32> to vector<512xf32>
    %broadcast_in_dim3A_67 = vector.shape_cast %reduce_max3A_66 : vector<512xf32> to vector<512x1xf32>
    %sub3A_68 = vector.broadcast %broadcast_in_dim3A_67 : vector<512x1xf32> to vector<512x1024xf32>
    %sub3A_69 = arith.subf %sub3A_65, %sub3A_68 : vector<512x1024xf32>
    %exp3A = math.exp %sub3A_69 : vector<512x1024xf32>
    %reduce_sum3A_70 = arith.constant dense<0.000000e+00> : vector<512xf32>
    %reduce_sum3A_71 = vector.multi_reduction <add>, %exp3A, %reduce_sum3A_70 [1] : vector<512x1024xf32> to vector<512xf32>
    %broadcast_in_dim3A_72 = vector.shape_cast %reduce_sum3A_71 : vector<512xf32> to vector<512x1xf32>
    %log3A = math.log %broadcast_in_dim3A_72 : vector<512x1xf32>
    %sub3A_73 = vector.broadcast %log3A : vector<512x1xf32> to vector<512x1024xf32>
    %sub3A_74 = arith.subf %sub3A_69, %sub3A_73 : vector<512x1024xf32>
    %div3A = vector.broadcast %broadcast_in_dim3A_72 : vector<512x1xf32> to vector<512x1024xf32>
    %div3A_75 = arith.divf %exp3A, %div3A : vector<512x1024xf32>
    %argmax3A = tpu.reduce_index %sub3A_74 {axis = 1 : i32, kind = #tpu.reduction_kind<arg_max>} : vector<512x1024xf32> -> vector<512xi32>
    %reshape3A = vector.shape_cast %argmax3A : vector<512xi32> to vector<512x1xi32>
    %swap3A = arith.constant 0 : index
    %swap3A_76 = arith.constant 0 : index
    %swap3A_77 = vector.load %arg11[%swap3A, %swap3A_76] : memref<512x1xi32, #tpu.memory_space<vmem>>, vector<512x1xi32>
    tpu.vector_store %arg11[%swap3A, %swap3A_76], %reshape3A {strides = array<i32>} : memref<512x1xi32, #tpu.memory_space<vmem>>, vector<512x1xi32>,
    %reduce_sum3A_78 = arith.constant dense<0.000000e+00> : vector<1024xf32>
    %reduce_sum3A_79 = vector.multi_reduction <add>, %div3A_75, %reduce_sum3A_78 [0] : vector<512x1024xf32> to vector<1024xf32>
    %broadcast_in_dim3A_80 = vector.shape_cast %reduce_sum3A_79 : vector<1024xf32> to vector<1x1024xf32>
    %mul3A_81 = arith.constant 0.001953125 : f32
    %mul3A_82 = vector.broadcast %mul3A_81 : f32 to vector<1x1024xf32>
    %mul3A_83 = arith.mulf %broadcast_in_dim3A_80, %mul3A_82 : vector<1x1024xf32>
    %add3A_84 = arith.constant 9.99999997E-7 : f32
    %add3A_85 = vector.broadcast %add3A_84 : f32 to vector<1x1024xf32>
    %add3A_86 = arith.addf %mul3A_83, %add3A_85 : vector<1x1024xf32>
    %reduce_sum3A_87 = arith.constant dense<0.000000e+00> : vector<1024xf32>
    %reduce_sum3A_88 = vector.multi_reduction <add>, %sub3A_74, %reduce_sum3A_87 [0] : vector<512x1024xf32> to vector<1024xf32>
    %broadcast_in_dim3A_89 = vector.shape_cast %reduce_sum3A_88 : vector<1024xf32> to vector<1x1024xf32>
    %log3A_90 = math.log %add3A_86 : vector<1x1024xf32>
    %mul3A_91 = arith.constant 5.120000e+02 : f32
    %mul3A_92 = vector.broadcast %mul3A_91 : f32 to vector<1x1024xf32>
    %mul3A_93 = arith.mulf %mul3A_92, %log3A_90 : vector<1x1024xf32>
    %sub3A_94 = arith.subf %mul3A_93, %broadcast_in_dim3A_89 : vector<1x1024xf32>
    %mul3A_95 = arith.mulf %add3A_86, %sub3A_94 : vector<1x1024xf32>
    %reduce_sum3A_96 = vector.shape_cast %mul3A_95 : vector<1x1024xf32> to vector<1x1x1024xf32>
    %reduce_sum3A_97 = arith.constant dense<0.000000e+00> : vector<1xf32>
    %reduce_sum3A_98 = vector.multi_reduction <add>, %reduce_sum3A_96, %reduce_sum3A_97 [1, 2] : vector<1x1x1024xf32> to vector<1xf32>
    %reduce_sum3A_99 = vector.shape_cast %reduce_sum3A_98 : vector<1xf32> to vector<1x1x1xf32>
    %reduce_sum3A_100 = vector.extract %reduce_sum3A_99[0, 0, 0] : f32 from vector<1x1x1xf32>
    %broadcast_in_dim3A_101 = vector.broadcast %reduce_sum3A_100 : f32 to vector<1x1xf32>
    %mul3A_102 = arith.constant 0.001953125 : f32
    %mul3A_103 = vector.broadcast %mul3A_102 : f32 to vector<1x1xf32>
    %mul3A_104 = arith.mulf %broadcast_in_dim3A_101, %mul3A_103 : vector<1x1xf32>
    %mul3A_105 = arith.mulf %add3A_86, %log3A_90 : vector<1x1024xf32>
    %reduce_sum3A_106 = vector.shape_cast %mul3A_105 : vector<1x1024xf32> to vector<1x1x1024xf32>
    %reduce_sum3A_107 = arith.constant dense<0.000000e+00> : vector<1xf32>
    %reduce_sum3A_108 = vector.multi_reduction <add>, %reduce_sum3A_106, %reduce_sum3A_107 [1, 2] : vector<1x1x1024xf32> to vector<1xf32>
    %reduce_sum3A_109 = vector.shape_cast %reduce_sum3A_108 : vector<1xf32> to vector<1x1x1xf32>
    %reduce_sum3A_110 = vector.extract %reduce_sum3A_109[0, 0, 0] : f32 from vector<1x1x1xf32>
    %broadcast_in_dim3A_111 = vector.broadcast %reduce_sum3A_110 : f32 to vector<1x1xf32>
    %neg3A = arith.constant 0.000000e+00 : f32
    %neg3A_112 = vector.broadcast %neg3A : f32 to vector<1x1xf32>
    %neg3A_113 = arith.subf %neg3A_112, %broadcast_in_dim3A_111 : vector<1x1xf32>
    %mul3A_114 = arith.constant 1.000000e-03 : f32
    %mul3A_115 = vector.broadcast %mul3A_114 : f32 to vector<1x1xf32>
    %mul3A_116 = arith.mulf %mul3A_115, %neg3A_113 : vector<1x1xf32>
    %sub3A_117 = arith.subf %mul3A_104, %mul3A_116 : vector<1x1xf32>
    %swap3A_118 = arith.constant 0 : index
    %swap3A_119 = arith.constant 0 : index
    %swap3A_120 = vector.load %arg12[%swap3A_118, %swap3A_119] : memref<1x1xf32, #tpu.memory_space<vmem>>, vector<1x1xf32>
    tpu.vector_store %arg12[%swap3A_118, %swap3A_119], %sub3A_117 {strides = array<i32>} : memref<1x1xf32, #tpu.memory_space<vmem>>, vector<1x1xf32>,
    return
  }
}

</mosaic_0001>

<sc_bundles>
// kernel: kernel.6.cloned.1.call-start
scs
__scs_entry_jumppad:
0x0: {  	(pc) =	sbr.rel $0x88, $3  }
0x1: {  	(tag) =	ssettag $0x0;
	lr =	simm.s32 $0x1  }
0x2: {  	[smem:$0x3F97] =	sst lr;
	_ =	strace $0xD0000000  }
0x3: {  	_ = 	snop  }
0x4: {  	_ = 	snop  }
0x5: {  	_ = 	snop  }
0x6: {  	_ = 	snop  }
0x7: {  	_ = 	snop  }
__scs_overlays_trampoline_lowered:
0x8: {  	[smem:$0x3FA6] =	sst s0  }
0x9: {  	[smem:$0x3FA7] =	sst s1  }
0xa: {  	[smem:$0x3FA8] =	sst s2  }
0xb: {  	[smem:$0x3FA9] =	sst s3  }
0xc: {  	[smem:$0x3FAA] =	sst s4  }
0xd: {  	[smem:$0x3FAB] =	sst s5  }
0xe: {  	[smem:$0x3FAC] =	sst s6  }
0xf: {  	[smem:$0x3FAD] =	sst s7  }
0x10: {  	[smem:$0x3FAE] =	sst s8  }
0x11: {  	[smem:$0x3FAF] =	sst s9;
	s0 =	simm.s32 @!p0 $0x0  }
0x12: {  	s1 =	sld [smem:$0x3F95];
	s0 =	simm.s32 @p0 $0x1  }
0x13: {  	[smem:$0x3FB0] =	sst s0;
	s0 =	simm.s32 @!p1 $0x0  }
0x14: {  	s2 =	sld [smem:$0x3F94];
	s0 =	simm.s32 @p1 $0x1  }
0x15: {  	[smem:$0x3FB1] =	sst s0;
	s0 =	simm.s32 @!p2 $0x0  }
0x16: {  	s3 =	sld [smem:$0x3FDB];
	s0 =	simm.s32 @p2 $0x1  }
0x17: {  	s4 =	simm.s32 $0x1BF5;
	[smem:$0x3FB3] =	sst s0  }
0x18: {  	s0 =	sld [smem:$0x3F96];
	_ =	swait.ge [sflag:s4], $0x0  }
0x19: {  	s7 =	sld [smem:$0x3F97]  }
0x1a: {  	s8 =	sadd.s32 $0xFFFFE003, lr  }
0x1b: {  	s9 =	sadd.s32 $0xFFFFFEF7, lr;
	s5 =	simm.s32 $0xFFFFFFFF;
	p2 =	slt.u32 s8, $0xFFFFF086  }
0x1c: {  	p1 =	slt.u32 s9, $0xF7A;
	s5 =	simm.s32 @!p2 $0x0  }
0x1d: {  	s5 =	simm.s32 @p1 $0x1;
	p0 =	seq.s32 s7, s2  }
0x1e: {  	s7 =	smul.u32 @!p0 $0xF7A, s2;
	p2 =	seq.s32 @!p0 s5, $0x0  }
0x1f: {  	s9 =	smul.u32 $0xF7A, s1;
	s8 =	simm.s32 @!p0 $0x1BF5;
	p2 =	por !p2, p0  }
0x20: {  	[sflag:s8] =	ssyncset.s32 @!p0 $0xFFFFF086;
	s6 =	sadd.s32 @!p0 s3, s7;
	s7 =	simm.s32 @!p0 $0x108  }
0x21: {  	s3 =	sadd.s32 s3, s9;
	s6 =	sadd.s32 @!p0 $0x88, s6;
	s7 =	simm.s32 @p2 $0x1082  }
0x22: {  	[simem:s7], [sflag:s8] =	dma.local @!p0 [hbm:s6], $0xF7A  }
0x23: {  	s9 =	sor.u32 $0xD0000000, s2;
	s6 =	simm.s32 $0x108;
	_ =	swait.ge @!p0 [sflag:s8], $0x0  }
0x24: {  	s3 =	sadd.s32 $0x88, s3;
	s6 =	simm.s32 @!p1 $0x1082;
	[sflag:s4] =	ssyncset.s32 $0xFFFFF086  }
0x25: {  	[simem:s6], [sflag:s4] =	dma.local [hbm:s3], $0xF7A  }
0x26: {  	[smem:$0x3F97] =	sst s1;
	(tag) =	ssettag s2;
	_ =	strace s9  }
0x27: {  	s1 =	sld [smem:$0x3FA7]  }
0x28: {  	s2 =	sld [smem:$0x3FA8]  }
0x29: {  	s4 =	sld [smem:$0x3FAA]  }
0x2a: {  	p0 =	seq.s32 s5, $0x0;
	s5 =	sld [smem:$0x3FAB]  }
0x2b: {  	s6 =	sld [smem:$0x3FAC]  }
0x2c: {  	s7 =	sld [smem:$0x3FAD]  }
0x2d: {  	s3 =	simm.s32 $0x108;
	s8 =	sld [smem:$0x3FAE]  }
0x2e: {  	s3 =	simm.s32 @!p0 $0x1082;
	s9 =	sld [smem:$0x3FAF]  }
0x2f: {  	lr =	sadd.s32 s0, s3;
	s0 =	sld [smem:$0x3FA6]  }
0x30: {  	s3 =	sld [smem:$0x3FA9]  }
0x31: {  	[smem:$0x3FB2] =	sst s10  }
0x32: {  	s10 =	sld [smem:$0x3FB0];
	_ =	sdelay $0x3  }
0x33: {  	p0 =	seq.s32 s10, $0x1;
	s10 =	sld [smem:$0x3FB2];
	_ =	sdelay $0x3  }
0x34: {  	[smem:$0x3FB2] =	sst s10  }
0x35: {  	s10 =	sld [smem:$0x3FB1];
	_ =	sdelay $0x3  }
0x36: {  	p1 =	seq.s32 s10, $0x1;
	s10 =	sld [smem:$0x3FB2];
	_ =	sdelay $0x3  }
0x37: {  	[smem:$0x3FB2] =	sst s10  }
0x38: {  	s10 =	sld [smem:$0x3FB3]  }
0x39: {  	_ = 	snop;
	(pc) =	sbr.ind lr, $3  }
0x3a: {  	_ = 	snop  }
0x3b: {  	_ = 	snop  }
0x3c: {  	p2 =	seq.s32 s10, $0x1;
	s10 =	sld [smem:$0x3FB2]  }
0x3d: {  	_ =	shalt  }
0x3e: {  	_ =	shalt  }
0x3f: {  	_ =	shalt  }
0x40: {  	_ =	shalt  }
0x41: {  	_ =	shalt  }
0x42: {  	_ =	shalt  }
0x43: {  	_ =	shalt  }
0x44: {  	_ =	shalt  }
0x45: {  	_ =	shalt  }
0x46: {  	_ =	shalt  }
0x47: {  	_ =	shalt  }
0x48: {  	_ =	shalt  }
0x49: {  	_ =	shalt  }
0x4a: {  	_ =	shalt  }
0x4b: {  	_ =	shalt  }
0x4c: {  	_ =	shalt  }
0x4d: {  	_ =	shalt  }
0x4e: {  	_ =	shalt  }
0x4f: {  	_ =	shalt  }
0x50: {  	_ =	shalt  }
0x51: {  	_ =	shalt  }
0x52: {  	_ =	shalt  }
0x53: {  	_ =	shalt  }
0x54: {  	_ =	shalt  }
0x55: {  	_ =	shalt  }
0x56: {  	_ =	shalt  }
0x57: {  	_ =	shalt  }
0x58: {  	_ =	shalt  }
0x59: {  	_ =	shalt  }
0x5a: {  	_ =	shalt  }
0x5b: {  	_ =	shalt  }
0x5c: {  	_ =	shalt  }
0x5d: {  	_ =	shalt  }
0x5e: {  	_ =	shalt  }
0x5f: {  	_ =	shalt  }
0x60: {  	_ =	shalt  }
0x61: {  	_ =	shalt  }
0x62: {  	_ =	shalt  }
0x63: {  	_ =	shalt  }
0x64: {  	_ =	shalt  }
0x65: {  	_ =	shalt  }
0x66: {  	_ =	shalt  }
0x67: {  	_ =	shalt  }
0x68: {  	_ =	shalt  }
0x69: {  	_ =	shalt  }
0x6a: {  	_ =	shalt  }
0x6b: {  	_ =	shalt  }
0x6c: {  	_ =	shalt  }
0x6d: {  	_ =	shalt  }
0x6e: {  	_ =	shalt  }
0x6f: {  	_ =	shalt  }
0x70: {  	_ =	shalt  }
0x71: {  	_ =	shalt  }
0x72: {  	_ =	shalt  }
0x73: {  	_ =	shalt  }
0x74: {  	_ =	shalt  }
0x75: {  	_ =	shalt  }
0x76: {  	_ =	shalt  }
0x77: {  	_ =	shalt  }
0x78: {  	_ =	shalt  }
0x79: {  	_ =	shalt  }
0x7a: {  	_ =	shalt  }
0x7b: {  	_ =	shalt  }
0x7c: {  	_ =	shalt  }
0x7d: {  	_ =	shalt  }
0x7e: {  	_ =	shalt  }
0x7f: {  	_ =	shalt  }
0x80: {  	_ =	shalt  }
0x81: {  	_ =	shalt  }
0x82: {  	_ =	shalt  }
0x83: {  	_ =	shalt  }
0x84: {  	_ =	shalt  }
0x85: {  	_ =	shalt  }
0x86: {  	_ =	shalt  }
0x87: {  	_ =	shalt  }
.Lfunc_end0:
.L_simem_size_0:
called_computation_lowered:
.L_overlay_start_0:
0x88: {  	s2 =	sld [smem:$0x3FD9]  }
0x89: {  	s3 =	sld [smem:$0x3FFE];
	_ =	sdelay $0x1  }
0x8a: {  	s1 =	srdreg.scid  }
0x8b: {  	s0 =	sand.u32 $0x1, s1  }
0x8c: {  	s14 =	sshll.u32 s0, $0xA;
	s2 =	sadd.s32 s3, s2  }
0x8d: {  	s2 =	sadd.s32 s2, s14  }
0x8e: {  	[smem:$0x3FBE] =	sst s2  }
0x8f: {  	_ = 	snop  }
0x90: {  	s2 =	sld [smem:$0x3FD0];
	_ =	sdelay $0x2  }
0x91: {  	s4 =	simm.s32 $0xA;
	s5 =	simm.s32 $0x10;
	s15 =	sld [smem:$0x3FC0]  }
0x92: {  	[smem:s5], [sflag:s4] =	dma.local [hbm:s2], $0x1  }
0x93: {  	_ =	swait.eq [sflag:s4], $0x1  }
0x94: {  	[sflag:s4] =	ssyncset.done $0x0  }
0x95: {  	[sflag:s4] =	ssyncadd.s32 $0xFFFFFFFF  }
0x96: {  	s16 =	sld [smem:$0x10];
	(tm) =	ssettm $0x1  }
0x97: {  	s17 =	sld [smem:$0x3FFB];
	_ =	sdelay $0x3  }
0x98: {  	_ =	strace s17  }
0x99: {  	s4 =	sld [smem:$0x3FFC];
	_ =	sdelay $0x3  }
0x9a: {  	_ =	strace s4  }
0x9b: {  	s4 =	sld [smem:$0x3FFD];
	_ =	sdelay $0x3  }
0x9c: {  	_ =	strace s4  }
0x9d: {  	_ =	strace $0x8FFFFFFF  }
0x9e: {  	s18 =	sld [smem:$0x3FDB];
	_ =	sdelay $0x1  }
0x9f: {  	s19 =	simm.s32 $_scs_section_size  }
0xa0: {  	s6 =	simm.s32 $_size__tile_overlayer_lowered;
	s7 =	simm.s32 $_tile_overlayer_lowered  }
0xa1: {  	s22 =	simm.s32 $0x1BFF;
	s21 =	sshll.u32 s7, $0x1;
	s4 =	sadd.s32 s19, s18  }
0xa2: {  	s8 =	simm.s32 $0x0;
	s20 =	sshll.u32 s6, $0x1;
	s6 =	sadd.s32 s21, s4  }
0xa3: {  	[timem:s8], [sflag:s22] =	dma.local [hbm:s6], s20  }
0xa4: {  	_ =	swait.ge [sflag:s22], s20  }
0xa5: {  	s5 =	ssub.s32 $0x0, s20;
	[sflag:s22] =	ssyncset.done $0x0  }
0xa6: {  	[sflag:s22] =	ssyncadd.s32 s5;
	_ =	sdelay $0x1  }
0xa7: {  	s23 =	simm.s32 $0x1B8B  }
0xa8: {  	_ =	swait.ge [sflag:s23], $0x1  }
0xa9: {  	[sflag:s23] =	ssyncset.done $0x0  }
0xaa: {  	s25 =	simm.s32 $0x1B8E;
	s24 =	sld [smem:$0x3FFE];
	[sflag:s23] =	ssyncadd.s32 $0xFFFFFFFF  }
0xab: {  	s26 =	simm.s32 $execute0_lowered;
	[smem:$0x3FD2] =	sst s25  }
0xac: {  	s6 =	sshll.u32 s26, $0x1;
	_ =	strace $0x80000046;
	[dreg:$0x1] =	wrdreg $0xFFFFFFFF  }
0xad: {  	s28 =	simm.s32 $_size_execute0_lowered;
	s4 =	sadd.s32 s4, s6;
	[dreg:$0x0] =	wrdreg $0x0  }
0xae: {  	s6 =	sshll.u32 s28, $0x1;
	[dreg:$0x2] =	wrdreg s4  }
0xaf: {  	[dreg:$0x3] =	wrdreg s6  }
0xb0: {  	[dreg:$0x4] =	wrdreg $0xC0  }
0xb1: {  	_ =	task [dreg:s8], $0x5FFFF  }
0xb2: {  	[dreg:$0x1] =	wrdreg $0xFFFFFFFF  }
0xb3: {  	[dreg:$0x0] =	wrdreg $0x60  }
0xb4: {  	[dreg:$0x2] =	wrdreg s15  }
0xb5: {  	[dreg:$0x3] =	wrdreg s24  }
0xb6: {  	[dreg:$0x4] =	wrdreg s16  }
0xb7: {  	[dreg:$0x5] =	wrdreg $0x9  }
0xb8: {  	_ =	task.clear_ibuf [dreg:s8], $0x6FFFF;
	_ =	strace $0x90000046  }
0xb9: {  	s29 =	simm.s32 $0x9;
	_ =	strace $0x80000048  }
0xba: {  	_ =	swait.ge [sflag:s29], $0x1  }
0xbb: {  	[sflag:s29] =	ssyncadd.s32 $0xFFFFFFFF  }
0xbc: {  	_ =	strace $0x90000048  }
0xbd: {  	_ =	sfence  }
0xbe: {  	s30 =	sld [smem:$0x0];
	_ =	sdelay $0x2  }
0xbf: {  	s31 =	sshll.u32 s1, $0xD;
	s1 =	sshrl.u32 s1, $0x2  }
0xc0: {  	s3 =	sand.u32 $0x4000, s31;
	s1 =	sadd.s32 s1, s30  }
0xc1: {  	s0 =	sor.u32 s3, s0;
	s1 =	sshll.u32 s1, $0x11  }
0xc2: {  	s0 =	sor.u32 s1, s0  }
0xc3: {  	s0 =	sadd.s32 $0x8F2B, s0  }
0xc4: {  	[sflag:s0] =	ssyncadd.remote.s32 $0x1  }
0xc5: {  	_ =	sfence.sel $0xFFFF  }
0xc6: {  	[dreg:$0x0] =	wrdreg $0xFFFFFFFF;
	(pc) =	sbr.abs _section_cstart, $3  }
0xc7: {  	[dreg:$0x1] =	wrdreg $0xFFFFFFFF  }
0xc8: {  	_ =	task.clear_ibuf [dreg:s8], $0x2FFFF;
	_ =	strace $0x9FFFFFFF  }
0xc9: {  	(tm) =	ssettm $0x7FFFFFFF  }
tec
execute0_lowered:
.L_overlay_start_1:
0x0: {  	(tag) =	ssettag $0x1  }
0x1: {  	s2 =	srdreg.scid  }
0x2: {  	s1 =	rddreg [dreg:$0x0];
	s0 =	stileid.u32;
	s7 =	sand.u32 $0x1, s2  }
0x3: {  	s4 =	rddreg [dreg:$0x1];
	s30 =	sshll.u32 s0, $0x5;
	s3 =	sshll.u32 s7, $0x4  }
0x4: {  	s9 =	rddreg [dreg:$0x2];
	s10 =	sor.u32 s3, s30  }
0x5: {  	s2 =	rddreg [dreg:$0x3];
	s3 =	simm.s32 $0x0;
	s5 =	sshrl.u32 s10, $0x3  }
0x6: {  	[smem:$0x7FF] =	sst s3;
	s4 =	sadd.s32 s5, s4  }
0x7: {  	_ =	strace $0x80000047;
	s5 =	sadd.s32 $0x1800, s4;
	s4 =	simm.s32 $0x2  }
0x8: {  	[tilespmem:s3], [sflag:$0x2] =	stream.linear.gather [hbm4b:s5+s3], $0x10, $0x38;
	[tilespmem:$0x1080] =	vst v63  }
0x9: {  	_ =	swait.ge [sflag:s4], $0x10  }
0xa: {  	[sflag:s4] =	ssyncset.done $0x0  }
0xb: {  	[sflag:s4] =	ssyncadd.s32 $0xFFFFFFF0  }
0xc: {  	v0 =	vld [tilespmem:$0x0];
	_ =	sdelay $0x4  }
0xd: {  	v1 =	vshll.u32 v0, $0x1  }
0xe: {  	v2 =	vlaneseq.u32;
	v3 =	vand.u32 $0x7, v0;
	v1 =	vand.u32 $0xFFFFFFF0, v1  }
0xf: {  	v4 =	vshrl.u32 v2, $0x3;
	v0 =	vand.u32 $0x7, v2;
	v3 =	vor.u32 v3, v1  }
0x10: {  	v1 =	vmul.u32 $0x8, v4;
	v63 =	vperm.xlane v3, v0  }
0x11: {  	v2 =	vor.u32 $0x8, v2  }
0x12: {  	v3 =	vperm.xlane v3, v2;
	v4 =	vadd.s32 v1, v63;
	_ =	sdelay $0x1  }
0x13: {  	s11 =	ssub.s32 $0x2, s7;
	v3 =	vadd.s32 v1, v3  }
0x14: {  	s12 =	sshrl.u32 s11, $0x1  }
0x15: {  	vm0 =	vmmov $0xffff;
	s6 =	simm.s32 $0x80;
	s11 =	ssub.s32 s11, s12  }
0x16: {  	[tilespmem:s6], [sflag:$0x1] =	stream.indirect_vreg.gather [hbm4b:s1+s3], $0x80, v4, vm0, $0xb8;
	[tilespmem:$0x1080] =	vst v63  }
0x17: {  	s8 =	simm.s32 $0x1;
	s7 =	simm.s32 $0x880;
	s31 =	smax.u32 s11, $0x1  }
0x18: {  	[tilespmem:s7], [sflag:$0x1] =	stream.indirect_vreg.gather [hbm4b:s1+s3], $0x80, v3, vm0, $0xb8;
	[tilespmem:$0x1080] =	vst v63  }
0x19: {  	p0 =	sne.s32 s31, $0x1;
	_ =	swait.ge [sflag:s8], $0x1000  }
.Ltmp0:
0x1a: {  	s10 =	sshll.u32 s10, $0x5;
	[sflag:s8] =	ssyncset.done $0x0;
	(pc) =	sbr.rel @!p0 .LBB2_2-.Ltmp0, $4  }
0x1b: {  	s9 =	sadd.s32 s9, s10;
	[sflag:s8] =	ssyncadd.s32 $0xFFFFF000  }
0x1c: {  	[hbm4b:s9+s3] =	stream.linear.scatter [tilespmem:s6], [sflag:$0x2], $0x1000, $0x38;
	[tilespmem:$0x1080] =	vst v63  }
0x1d: {  	_ =	swait.ge [sflag:s4], $0x1000  }
0x1e: {  	s10 =	sadd.s32 $0xFFFFFFFF, s31;
	[sflag:s4] =	ssyncset.done $0x0  }
.LBB2_1:
0x1f: {  	p0 =	sne.s32 s10, $0x1;
	s10 =	sadd.s32 $0xFFFFFFFF, s10;
	[sflag:s4] =	ssyncadd.s32 $0xFFFFF000  }
0x20: {  	[tilespmem:s3], [sflag:$0x2] =	stream.linear.gather [hbm4b:s5+s3], $0x10, $0x38;
	[tilespmem:$0x1080] =	vst v63  }
0x21: {  	_ =	swait.ge [sflag:s4], $0x10  }
0x22: {  	[sflag:s4] =	ssyncset.done $0x0  }
0x23: {  	[sflag:s4] =	ssyncadd.s32 $0xFFFFFFF0  }
0x24: {  	v3 =	vld [tilespmem:$0x0];
	_ =	sdelay $0x4  }
0x25: {  	v4 =	vshll.u32 v3, $0x1  }
0x26: {  	v3 =	vand.u32 $0x7, v3;
	v4 =	vand.u32 $0xFFFFFFF0, v4  }
0x27: {  	v3 =	vor.u32 v3, v4  }
0x28: {  	v4 =	vperm.xlane v3, v0;
	v3 =	vperm.xlane v3, v2;
	_ =	sdelay $0x1  }
0x29: {  	v4 =	vadd.s32 v1, v4;
	_ =	sdelay $0x1  }
0x2a: {  	v3 =	vadd.s32 v1, v3;
	_ =	sdelay $0x2  }
0x2b: {  	[tilespmem:s6], [sflag:$0x1] =	stream.indirect_vreg.gather [hbm4b:s1+s3], $0x80, v4, vm0, $0xb8;
	[tilespmem:$0x1080] =	vst v63  }
0x2c: {  	_ = 	snop  }
0x2d: {  	[tilespmem:s7], [sflag:$0x1] =	stream.indirect_vreg.gather [hbm4b:s1+s3], $0x80, v3, vm0, $0xb8;
	[tilespmem:$0x1080] =	vst v63  }
0x2e: {  	_ =	swait.ge [sflag:s8], $0x1000  }
.Ltmp1:
0x2f: {  	[sflag:s8] =	ssyncset.done $0x0;
	(pc) =	sbr.rel @p0 .LBB2_1-.Ltmp1, $4  }
0x30: {  	[sflag:s8] =	ssyncadd.s32 $0xFFFFF000  }
0x31: {  	[hbm4b:s9+s3] =	stream.linear.scatter [tilespmem:s6], [sflag:$0x2], $0x1000, $0x38;
	[tilespmem:$0x1080] =	vst v63  }
0x32: {  	_ =	swait.ge [sflag:s4], $0x1000  }
0x33: {  	[sflag:s4] =	ssyncset.done $0x0  }
.LBB2_2:
0x34: {  	[sflag:s4] =	ssyncadd.s32 $0xFFFFF000  }
0x35: {  	_ =	sfence.sel $0x180000  }
0x36: {  	[bflag:$0x0] =	sbarrier.arrive $0xFFFF  }
0x37: {  	p0 =	sne.s32 s0, $0x0;
	_ =	strace $0x90000047  }
0x38: {  	s0 =	sadd.s32 @!p0 $0x100000, s2;
	[bflag:$0x2] =	sbarrier.arrive $0xFFFF  }
0x39: {  	[sflag:s0] =	ssyncadd.tile.s32 @!p0 $0x1;
	_ =	shalt  }
.Lfunc_end2:
_tile_overlayer_lowered:
.L_overlay_start_2:
0x3a: {  	(tag) =	ssettag $0x2  }
0x3b: {  	s0 =	rddreg [dreg:$0x0];
	s2 =	stileid.u32  }
0x3c: {  	s1 =	rddreg [dreg:$0x1];
	p0 =	sne.s32 s2, $0x0  }
0x3d: {  	s3 =	rddreg [dreg:$0x2];
	[bflag:$0x3] =	sbarrier.arrive $0xFFFF;
	s2 =	simm.s32 @!p0 $0x1C02  }
0x3e: {  	[timem:s3], [sflag:s2] =	dma.local @!p0 [hbm:s0], s1  }
0x3f: {  	s0 =	simm.s32 @!p0 $0x2  }
0x40: {  	_ =	swait.ge @!p0 [sflag:s0], s1  }
0x41: {  	s1 =	ssub.s32 @!p0 $0x0, s1;
	[sflag:s0] =	ssyncset.done @!p0 $0x0  }
0x42: {  	[sflag:s0] =	ssyncadd.s32 @!p0 s1  }
0x43: {  	[bflag:$0x3] =	sbarrier.arrive $0xFFFF  }
0x44: {  	_ =	shalt  }

</sc_bundles>
